<compile_context>
chip_gen: v7x
topology: tpu7x:2x2x1
jax: 0.10.2.dev20260603
libtpu: 0.0.44.dev20260713+nightly
codegen_flags: <defaults>
</compile_context>

<pallas_src>
import jax
import jax.numpy as jnp
from jax.experimental import pallas as pl
from jax.experimental.pallas import tpu as pltpu

EPS = 1e-5




def _fc_relu_body(x_ref, w_ref, b_ref, o_ref):
    x = x_ref[...].astype(jnp.bfloat16)
    w = w_ref[...].astype(jnp.bfloat16)
    acc = jnp.dot(x, w, preferred_element_type=jnp.float32)
    o_ref[...] = jnp.maximum(acc + b_ref[...], 0.0)


def _fc_relu(x, w, b, block_n):
    m, k = x.shape
    _, n = w.shape
    grid = (n // block_n,)
    return pl.pallas_call(
        _fc_relu_body,
        grid=grid,
        in_specs=[
            pl.BlockSpec((m, k), lambda i: (0, 0)),
            pl.BlockSpec((k, block_n), lambda i: (0, i)),
            pl.BlockSpec((1, block_n), lambda i: (0, i)),
        ],
        out_specs=pl.BlockSpec((m, block_n), lambda i: (0, i)),
        out_shape=jax.ShapeDtypeStruct((m, n), jnp.float32),
    )(x, w, b.reshape(1, n))




def _moe_body(h_ref, gw_ref, gb_ref, ebias_ref, ew_ref, eb_ref, o_ref):
    e = pl.program_id(1)
    hb = h_ref[...].astype(jnp.bfloat16)
    scores = jnp.dot(hb, gw_ref[...].astype(jnp.bfloat16),
                     preferred_element_type=jnp.float32)
    scores = (scores + gb_ref[...]) + ebias_ref[...]
    chosen = jnp.argmax(scores, axis=1)
    mask = (chosen == e)[:, None]
    hm = jnp.where(mask, hb, jnp.bfloat16(0.0))
    contrib = jnp.dot(hm, ew_ref[...].astype(jnp.bfloat16),
                      preferred_element_type=jnp.float32)
    contrib = contrib + jnp.where(mask, eb_ref[0], 0.0)

    @pl.when(e == 0)
    def _init():
        o_ref[...] = contrib

    @pl.when(e > 0)
    def _acc():
        o_ref[...] += contrib


def _moe_head(h, gw, gb, ebias, ew, eb, block_c):
    b_sz, hdim = h.shape
    n_experts, _, cdim = ew.shape
    grid = (pl.cdiv(cdim, block_c), n_experts)
    return pl.pallas_call(
        _moe_body,
        grid=grid,
        in_specs=[
            pl.BlockSpec((b_sz, hdim), lambda i, j: (0, 0)),
            pl.BlockSpec((hdim, n_experts), lambda i, j: (0, 0)),
            pl.BlockSpec((1, n_experts), lambda i, j: (0, 0)),
            pl.BlockSpec((1, n_experts), lambda i, j: (0, 0)),
            pl.BlockSpec((hdim, block_c), lambda i, j: (j, i)),
            pl.BlockSpec((1, 1, block_c), lambda i, j: (j, 0, i)),
        ],
        out_specs=pl.BlockSpec((b_sz, block_c), lambda i, j: (0, i)),
        out_shape=jax.ShapeDtypeStruct((b_sz, cdim), jnp.float32),
    )(h, gw, gb.reshape(1, n_experts), ebias.reshape(1, n_experts),
      ew.reshape(n_experts * hdim, cdim), eb.reshape(n_experts, 1, cdim))


def _moe_manual_body(h_ref, gw_ref, gb_ref, ebias_ref, eb_ref, ew_hbm,
                     o_ref, buf, sem):
    hdim = h_ref.shape[1]
    n_experts = gw_ref.shape[1]
    hb = h_ref[...].astype(jnp.bfloat16)
    scores = jnp.dot(hb, gw_ref[...].astype(jnp.bfloat16),
                     preferred_element_type=jnp.float32)
    scores = (scores + gb_ref[...]) + ebias_ref[...]
    chosen = jnp.argmax(scores, axis=1)

    cdim = o_ref.shape[1]
    n_elem = hdim * cdim

    def copy(e):
        return pltpu.make_async_copy(
            ew_hbm.at[pl.ds(e * n_elem, n_elem)], buf.at[e % 2], sem.at[e % 2])

    copy(0).start()
    for e in range(n_experts):
        if e + 1 < n_experts:
            copy(e + 1).start()
        copy(e).wait()
        mask = (chosen == e)[:, None]
        contrib = jnp.where(mask, buf[e % 2, :cdim][None, :], 0.0)
        if e == 0:
            o_ref[...] = contrib
        else:
            o_ref[...] += contrib


def _moe_head_manual(h, gw, gb, ebias, ew, eb):
    b_sz, hdim = h.shape
    n_experts, _, cdim = ew.shape
    return pl.pallas_call(
        _moe_manual_body,
        in_specs=[
            pl.BlockSpec(memory_space=pltpu.VMEM),
            pl.BlockSpec(memory_space=pltpu.VMEM),
            pl.BlockSpec(memory_space=pltpu.VMEM),
            pl.BlockSpec(memory_space=pltpu.VMEM),
            pl.BlockSpec(memory_space=pltpu.VMEM),
            pl.BlockSpec(memory_space=pl.ANY),
        ],
        out_specs=pl.BlockSpec(memory_space=pltpu.VMEM),
        out_shape=jax.ShapeDtypeStruct((b_sz, cdim), jnp.float32),
        scratch_shapes=[
            pltpu.VMEM((2, hdim * cdim), jnp.float32),
            pltpu.SemaphoreType.DMA((2,)),
        ],
    )(h, gw, gb.reshape(1, n_experts), ebias.reshape(1, n_experts),
      eb, ew.reshape(n_experts * hdim * cdim))




def _conv(x, w, b, stride, pad):
    out = jax.lax.conv_general_dilated(
        x, w, (stride, stride), [(pad, pad), (pad, pad)],
        dimension_numbers=('NCHW', 'OIHW', 'NCHW'))
    return out + b[None, :, None, None]


def _bn(x, g, b):
    scale = g / jnp.sqrt(1.0 + EPS)
    return x * scale[None, :, None, None] + b[None, :, None, None]


def _maxpool(x):
    return jax.lax.reduce_window(x, -jnp.inf, jax.lax.max,
                                 (1, 1, 3, 3), (1, 1, 2, 2), 'VALID')


def kernel(x, params, expert_bias):
    p = params
    h2p = x[:, 0, :64, :64].reshape(32, 4096)
    return _moe_head_manual(h2p, p['gw'], p['gb'], expert_bias, p['ew'], p['eb'])
    t = _maxpool(jax.nn.relu(_bn(_conv(x, p['c1w'], p['c1b'], 4, 0), p['bn1g'], p['bn1b'])))
    t = _maxpool(jax.nn.relu(_bn(_conv(t, p['c2w'], p['c2b'], 1, 2), p['bn2g'], p['bn2b'])))
    t = jax.nn.relu(_bn(_conv(t, p['c3w'], p['c3b'], 1, 1), p['bn3g'], p['bn3b']))
    t = jax.nn.relu(_bn(_conv(t, p['c4w'], p['c4b'], 1, 1), p['bn4g'], p['bn4b']))
    t = _maxpool(jax.nn.relu(_bn(_conv(t, p['c5w'], p['c5b'], 1, 1), p['bn5g'], p['bn5b'])))
    h0 = t.reshape(t.shape[0], -1)

    h1 = _fc_relu(h0, p['fc1w'], p['fc1b'], block_n=512)
    h2 = _fc_relu(h1, p['fc2w'], p['fc2b'], block_n=512)

    out = _moe_head_manual(h2, p['gw'], p['gb'], expert_bias, p['ew'], p['eb'])
    return out

# --- scband reference (transcript-rebuilt; emitter-appended) ---
"""Pipeline reference for scband-alex-net-mo-eloss-free-55095840473660 (READ-ONLY COPY).

The authoritative reference and input builder live on the scoring server;
editing this copy changes nothing except your own understanding.
"""

import jax, jax.numpy as jnp
import numpy as np

EPS = 1e-5


def _conv(x, w, b, stride, pad):
    out = jax.lax.conv_general_dilated(
        x, w, (stride, stride), [(pad, pad), (pad, pad)],
        dimension_numbers=('NCHW', 'OIHW', 'NCHW'))
    return out + b[None, :, None, None]


def _bn(x, g, b):
    # eval-mode BatchNorm with running_mean=0, running_var=1
    scale = g / jnp.sqrt(1.0 + EPS)
    return x * scale[None, :, None, None] + b[None, :, None, None]


def _maxpool(x):
    return jax.lax.reduce_window(x, -jnp.inf, jax.lax.max,
                                 (1, 1, 3, 3), (1, 1, 2, 2), 'VALID')


def _forward(x, params, expert_bias):
    p = params
    x = _maxpool(jax.nn.relu(_bn(_conv(x, p['c1w'], p['c1b'], 4, 0), p['bn1g'], p['bn1b'])))
    x = _maxpool(jax.nn.relu(_bn(_conv(x, p['c2w'], p['c2b'], 1, 2), p['bn2g'], p['bn2b'])))
    x = jax.nn.relu(_bn(_conv(x, p['c3w'], p['c3b'], 1, 1), p['bn3g'], p['bn3b']))
    x = jax.nn.relu(_bn(_conv(x, p['c4w'], p['c4b'], 1, 1), p['bn4g'], p['bn4b']))
    x = _maxpool(jax.nn.relu(_bn(_conv(x, p['c5w'], p['c5b'], 1, 1), p['bn5g'], p['bn5b'])))
    h = x.reshape(x.shape[0], -1)  # [B, 9216], NCHW flatten matches torch .view
    h = jax.nn.relu(h @ p['fc1w'] + p['fc1b'])  # dropout = identity in eval
    h = jax.nn.relu(h @ p['fc2w'] + p['fc2b'])
    gate_scores = h @ p['gw'] + p['gb']
    biased = gate_scores + expert_bias
    chosen = jnp.argmax(biased, axis=1)  # [B]
    Wg = jnp.take(p['ew'], chosen, axis=0)  # [B, H, C] gather of expert weights
    bg = jnp.take(p['eb'], chosen, axis=0)  # [B, C]
    out = jnp.einsum('bh,bhc->bc', h, Wg) + bg
    return out


def setup_inputs(seed: int = 0) -> dict:
    key = jax.random.key(seed)
    ks = iter(jax.random.split(key, 32))

    def nrm(shape, s):
        return jax.random.normal(next(ks), shape, dtype=jnp.float32) * s

    B, E, H, C = 32, 8, 4096, 1000
    x = jax.random.normal(next(ks), (B, 3, 227, 227), dtype=jnp.float32)
    params = {
        'c1w': nrm((96, 3, 11, 11), 0.05), 'c1b': jnp.zeros((96,), jnp.float32),
        'bn1g': jnp.ones((96,), jnp.float32), 'bn1b': jnp.zeros((96,), jnp.float32),
        'c2w': nrm((256, 96, 5, 5), 0.02), 'c2b': jnp.zeros((256,), jnp.float32),
        'bn2g': jnp.ones((256,), jnp.float32), 'bn2b': jnp.zeros((256,), jnp.float32),
        'c3w': nrm((384, 256, 3, 3), 0.02), 'c3b': jnp.zeros((384,), jnp.float32),
        'bn3g': jnp.ones((384,), jnp.float32), 'bn3b': jnp.zeros((384,), jnp.float32),
        'c4w': nrm((384, 384, 3, 3), 0.02), 'c4b': jnp.zeros((384,), jnp.float32),
        'bn4g': jnp.ones((384,), jnp.float32), 'bn4b': jnp.zeros((384,), jnp.float32),
        'c5w': nrm((256, 384, 3, 3), 0.02), 'c5b': jnp.zeros((256,), jnp.float32),
        'bn5g': jnp.ones((256,), jnp.float32), 'bn5b': jnp.zeros((256,), jnp.float32),
        'fc1w': nrm((256 * 6 * 6, H), 0.01), 'fc1b': jnp.zeros((H,), jnp.float32),
        'fc2w': nrm((H, H), 0.01), 'fc2b': jnp.zeros((H,), jnp.float32),
        'gw': nrm((H, E), 0.01), 'gb': jnp.zeros((E,), jnp.float32),
        'ew': nrm((E, H, C), 0.01), 'eb': jnp.zeros((E, C), jnp.float32),
    }
    expert_bias = jnp.zeros((E,), dtype=jnp.float32)
    return {'x': x, 'params': params, 'expert_bias': expert_bias}


def reference(x, params, expert_bias):
    return _forward(x, params, expert_bias)

if __name__ == "__main__":
    import jax
    _d = setup_inputs()
    print(jax.jit(kernel)(*tuple(_d.values())))

</pallas_src>

<mosaic_0001>
module attributes {stable_mosaic.version = 14 : i64} {
  func.func @_moe_manual_body(%arg0: memref<32x4096xf32, #tpu.memory_space<vmem>>, %arg1: memref<4096x8xf32, #tpu.memory_space<vmem>>, %arg2: memref<1x8xf32, #tpu.memory_space<vmem>>, %arg3: memref<1x8xf32, #tpu.memory_space<vmem>>, %arg4: memref<8x1000xf32, #tpu.memory_space<vmem>>, %arg5: memref<32768000xf32, #tpu.memory_space<any>>, %arg6: memref<32x1000xf32, #tpu.memory_space<vmem>>, %arg7: memref<2x4096000xf32, #tpu.memory_space<vmem>>, %arg8: memref<2x!tpu.dma_semaphore, #tpu.memory_space<semaphore_mem>>) attributes {dimension_semantics = [], scalar_prefetch = 0 : i64, scratch_operands = 2 : i64, tpu.core_type = #tpu.core_type<tc>} {
    %get3A = arith.constant 0 : index
    %get3A_0 = arith.constant 0 : index
    %get3A_1 = vector.load %arg0[%get3A, %get3A_0] : memref<32x4096xf32, #tpu.memory_space<vmem>>, vector<32x4096xf32>
    %convert_element_type3A = arith.truncf %get3A_1 : vector<32x4096xf32> to vector<32x4096xbf16>
    %get3A_2 = arith.constant 0 : index
    %get3A_3 = arith.constant 0 : index
    %get3A_4 = vector.load %arg1[%get3A_2, %get3A_3] : memref<4096x8xf32, #tpu.memory_space<vmem>>, vector<4096x8xf32>
    %convert_element_type3A_5 = arith.truncf %get3A_4 : vector<4096x8xf32> to vector<4096x8xbf16>
    %dot_general3A = arith.constant dense<0.000000e+00> : vector<32x8xf32>
    %dot_general3A_6 = tpu.matmul %convert_element_type3A, %convert_element_type3A_5, %dot_general3A {dimension_numbers = #tpu.dot_dimension_numbers<[1], [0], [0], [1], [0, 0, 1, 1], [], []>, transpose_lhs_hint = false} : vector<32x4096xbf16>, vector<4096x8xbf16>, vector<32x8xf32> -> vector<32x8xf32>
    %get3A_7 = arith.constant 0 : index
    %get3A_8 = arith.constant 0 : index
    %get3A_9 = vector.load %arg2[%get3A_7, %get3A_8] : memref<1x8xf32, #tpu.memory_space<vmem>>, vector<1x8xf32>
    %add3A = vector.broadcast %get3A_9 : vector<1x8xf32> to vector<32x8xf32>
    %add3A_10 = arith.addf %dot_general3A_6, %add3A : vector<32x8xf32>
    %get3A_11 = arith.constant 0 : index
    %get3A_12 = arith.constant 0 : index
    %get3A_13 = vector.load %arg3[%get3A_11, %get3A_12] : memref<1x8xf32, #tpu.memory_space<vmem>>, vector<1x8xf32>
    %add3A_14 = vector.broadcast %get3A_13 : vector<1x8xf32> to vector<32x8xf32>
    %add3A_15 = arith.addf %add3A_10, %add3A_14 : vector<32x8xf32>
    %argmax3A = tpu.reduce_index %add3A_15 {axis = 1 : i32, kind = #tpu.reduction_kind<arg_max>} : vector<32x8xf32> -> vector<32xi32>
    %dma_start3A = arith.constant 0 : i32
    %dma_start3A_16 = arith.constant 0 : i32
    %dma_start3A_17 = tpu.memref_slice %arg8[%dma_start3A_16] : memref<2x!tpu.dma_semaphore, #tpu.memory_space<semaphore_mem>> -> memref<1x!tpu.dma_semaphore, #tpu.memory_space<semaphore_mem>>
    %dma_start3A_18 = tpu.memref_squeeze %dma_start3A_17 : memref<1x!tpu.dma_semaphore, #tpu.memory_space<semaphore_mem>> -> memref<!tpu.dma_semaphore, #tpu.memory_space<semaphore_mem>>
    %dma_start3A_19 = arith.constant 0 : i32
    %dma_start3A_20 = tpu.memref_slice %arg7[%dma_start3A, %dma_start3A_19] : memref<2x4096000xf32, #tpu.memory_space<vmem>> -> memref<1x4096000xf32, #tpu.memory_space<vmem>>
    %dma_start3A_21 = tpu.memref_squeeze %dma_start3A_20 : memref<1x4096000xf32, #tpu.memory_space<vmem>> -> memref<4096000xf32, #tpu.memory_space<vmem>>
    %dma_start3A_22 = arith.constant 0 : i32
    %dma_start3A_23 = tpu.memref_slice %arg5[%dma_start3A_22] : memref<32768000xf32, #tpu.memory_space<any>> -> memref<4096000xf32, #tpu.memory_space<any>>
    tpu.enqueue_dma source(%dma_start3A_23 : memref<4096000xf32, #tpu.memory_space<any>>) target(%dma_start3A_21 : memref<4096000xf32, #tpu.memory_space<vmem>>) target_semaphore(%dma_start3A_18 : memref<!tpu.dma_semaphore, #tpu.memory_space<semaphore_mem>>)
    %dma_start3A_24 = arith.constant 1 : i32
    %dma_start3A_25 = arith.constant 1 : i32
    %dma_start3A_26 = tpu.memref_slice %arg8[%dma_start3A_25] : memref<2x!tpu.dma_semaphore, #tpu.memory_space<semaphore_mem>> -> memref<1x!tpu.dma_semaphore, #tpu.memory_space<semaphore_mem>>
    %dma_start3A_27 = tpu.memref_squeeze %dma_start3A_26 : memref<1x!tpu.dma_semaphore, #tpu.memory_space<semaphore_mem>> -> memref<!tpu.dma_semaphore, #tpu.memory_space<semaphore_mem>>
    %dma_start3A_28 = arith.constant 0 : i32
    %dma_start3A_29 = tpu.memref_slice %arg7[%dma_start3A_24, %dma_start3A_28] : memref<2x4096000xf32, #tpu.memory_space<vmem>> -> memref<1x4096000xf32, #tpu.memory_space<vmem>>
    %dma_start3A_30 = tpu.memref_squeeze %dma_start3A_29 : memref<1x4096000xf32, #tpu.memory_space<vmem>> -> memref<4096000xf32, #tpu.memory_space<vmem>>
    %dma_start3A_31 = arith.constant 4096000 : i32
    %dma_start3A_32 = tpu.memref_slice %arg5[%dma_start3A_31] : memref<32768000xf32, #tpu.memory_space<any>> -> memref<4096000xf32, #tpu.memory_space<any>>
    tpu.enqueue_dma source(%dma_start3A_32 : memref<4096000xf32, #tpu.memory_space<any>>) target(%dma_start3A_30 : memref<4096000xf32, #tpu.memory_space<vmem>>) target_semaphore(%dma_start3A_27 : memref<!tpu.dma_semaphore, #tpu.memory_space<semaphore_mem>>)
    %dma_wait3A = arith.constant 0 : i32
    %dma_wait3A_33 = arith.constant 0 : i32
    %dma_wait3A_34 = tpu.memref_slice %arg8[%dma_wait3A_33] : memref<2x!tpu.dma_semaphore, #tpu.memory_space<semaphore_mem>> -> memref<1x!tpu.dma_semaphore, #tpu.memory_space<semaphore_mem>>
    %dma_wait3A_35 = tpu.memref_squeeze %dma_wait3A_34 : memref<1x!tpu.dma_semaphore, #tpu.memory_space<semaphore_mem>> -> memref<!tpu.dma_semaphore, #tpu.memory_space<semaphore_mem>>
    %dma_wait3A_36 = arith.constant 0 : i32
    %dma_wait3A_37 = tpu.memref_slice %arg7[%dma_wait3A, %dma_wait3A_36] : memref<2x4096000xf32, #tpu.memory_space<vmem>> -> memref<1x4096000xf32, #tpu.memory_space<vmem>>
    %dma_wait3A_38 = tpu.memref_squeeze %dma_wait3A_37 : memref<1x4096000xf32, #tpu.memory_space<vmem>> -> memref<4096000xf32, #tpu.memory_space<vmem>>
    %dma_wait3A_39 = arith.constant 0 : i32
    %dma_wait3A_40 = tpu.memref_slice %arg5[%dma_wait3A_39] : memref<32768000xf32, #tpu.memory_space<any>> -> memref<4096000xf32, #tpu.memory_space<any>>
    tpu.wait_dma2 semaphore(%dma_wait3A_35 : memref<!tpu.dma_semaphore, #tpu.memory_space<semaphore_mem>>) src(%dma_wait3A_40 : memref<4096000xf32, #tpu.memory_space<any>>) dst(%dma_wait3A_38 : memref<4096000xf32, #tpu.memory_space<vmem>>)
    %eq3A = arith.constant 0 : i32
    %eq3A_41 = vector.broadcast %eq3A : i32 to vector<32xi32>
    %eq3A_42 = arith.cmpi eq, %argmax3A, %eq3A_41 : vector<32xi32>
    %broadcast_in_dim3A = vector.shape_cast %eq3A_42 : vector<32xi1> to vector<32x1xi1>
    %get3A_43 = arith.constant 0 : index
    %get3A_44 = arith.constant 0 : index
    %get3A_45 = vector.load %arg7[%get3A_43, %get3A_44] : memref<2x4096000xf32, #tpu.memory_space<vmem>>, vector<1x1000xf32>
    %get3A_46 = vector.shape_cast %get3A_45 : vector<1x1000xf32> to vector<1000xf32>
    %broadcast_in_dim3A_47 = vector.shape_cast %get3A_46 : vector<1000xf32> to vector<1x1000xf32>
    %jit3A = arith.constant 0.000000e+00 : f32
    %broadcast_in_dim3A_48 = vector.shape_cast %broadcast_in_dim3A : vector<32x1xi1> to vector<32x1xi1>
    %broadcast_in_dim3A_49 = vector.broadcast %broadcast_in_dim3A_48 : vector<32x1xi1> to vector<32x1000xi1>
    %broadcast_in_dim3A_50 = vector.shape_cast %broadcast_in_dim3A_47 : vector<1x1000xf32> to vector<1x1000xf32>
    %broadcast_in_dim3A_51 = vector.broadcast %broadcast_in_dim3A_50 : vector<1x1000xf32> to vector<32x1000xf32>
    %broadcast_in_dim3A_52 = vector.broadcast %jit3A : f32 to vector<32x1000xf32>
    %select_n3A = arith.select %broadcast_in_dim3A_49, %broadcast_in_dim3A_51, %broadcast_in_dim3A_52 : vector<32x1000xi1>, vector<32x1000xf32>
    %swap3A = arith.constant 0 : index
    %swap3A_53 = arith.constant 0 : index
    %swap3A_54 = vector.load %arg6[%swap3A, %swap3A_53] : memref<32x1000xf32, #tpu.memory_space<vmem>>, vector<32x1000xf32>
    tpu.vector_store %arg6[%swap3A, %swap3A_53], %select_n3A {strides = array<i32>} : memref<32x1000xf32, #tpu.memory_space<vmem>>, vector<32x1000xf32>,
    %dma_start3A_55 = arith.constant 0 : i32
    %dma_start3A_56 = arith.constant 0 : i32
    %dma_start3A_57 = tpu.memref_slice %arg8[%dma_start3A_56] : memref<2x!tpu.dma_semaphore, #tpu.memory_space<semaphore_mem>> -> memref<1x!tpu.dma_semaphore, #tpu.memory_space<semaphore_mem>>
    %dma_start3A_58 = tpu.memref_squeeze %dma_start3A_57 : memref<1x!tpu.dma_semaphore, #tpu.memory_space<semaphore_mem>> -> memref<!tpu.dma_semaphore, #tpu.memory_space<semaphore_mem>>
    %dma_start3A_59 = arith.constant 0 : i32
    %dma_start3A_60 = tpu.memref_slice %arg7[%dma_start3A_55, %dma_start3A_59] : memref<2x4096000xf32, #tpu.memory_space<vmem>> -> memref<1x4096000xf32, #tpu.memory_space<vmem>>
    %dma_start3A_61 = tpu.memref_squeeze %dma_start3A_60 : memref<1x4096000xf32, #tpu.memory_space<vmem>> -> memref<4096000xf32, #tpu.memory_space<vmem>>
    %dma_start3A_62 = arith.constant 8192000 : i32
    %dma_start3A_63 = tpu.memref_slice %arg5[%dma_start3A_62] : memref<32768000xf32, #tpu.memory_space<any>> -> memref<4096000xf32, #tpu.memory_space<any>>
    tpu.enqueue_dma source(%dma_start3A_63 : memref<4096000xf32, #tpu.memory_space<any>>) target(%dma_start3A_61 : memref<4096000xf32, #tpu.memory_space<vmem>>) target_semaphore(%dma_start3A_58 : memref<!tpu.dma_semaphore, #tpu.memory_space<semaphore_mem>>)
    %dma_wait3A_64 = arith.constant 1 : i32
    %dma_wait3A_65 = arith.constant 1 : i32
    %dma_wait3A_66 = tpu.memref_slice %arg8[%dma_wait3A_65] : memref<2x!tpu.dma_semaphore, #tpu.memory_space<semaphore_mem>> -> memref<1x!tpu.dma_semaphore, #tpu.memory_space<semaphore_mem>>
    %dma_wait3A_67 = tpu.memref_squeeze %dma_wait3A_66 : memref<1x!tpu.dma_semaphore, #tpu.memory_space<semaphore_mem>> -> memref<!tpu.dma_semaphore, #tpu.memory_space<semaphore_mem>>
    %dma_wait3A_68 = arith.constant 0 : i32
    %dma_wait3A_69 = tpu.memref_slice %arg7[%dma_wait3A_64, %dma_wait3A_68] : memref<2x4096000xf32, #tpu.memory_space<vmem>> -> memref<1x4096000xf32, #tpu.memory_space<vmem>>
    %dma_wait3A_70 = tpu.memref_squeeze %dma_wait3A_69 : memref<1x4096000xf32, #tpu.memory_space<vmem>> -> memref<4096000xf32, #tpu.memory_space<vmem>>
    %dma_wait3A_71 = arith.constant 4096000 : i32
    %dma_wait3A_72 = tpu.memref_slice %arg5[%dma_wait3A_71] : memref<32768000xf32, #tpu.memory_space<any>> -> memref<4096000xf32, #tpu.memory_space<any>>
    tpu.wait_dma2 semaphore(%dma_wait3A_67 : memref<!tpu.dma_semaphore, #tpu.memory_space<semaphore_mem>>) src(%dma_wait3A_72 : memref<4096000xf32, #tpu.memory_space<any>>) dst(%dma_wait3A_70 : memref<4096000xf32, #tpu.memory_space<vmem>>)
    %eq3A_73 = arith.constant 1 : i32
    %eq3A_74 = vector.broadcast %eq3A_73 : i32 to vector<32xi32>
    %eq3A_75 = arith.cmpi eq, %argmax3A, %eq3A_74 : vector<32xi32>
    %broadcast_in_dim3A_76 = vector.shape_cast %eq3A_75 : vector<32xi1> to vector<32x1xi1>
    %get3A_77 = arith.constant 1 : index
    %get3A_78 = arith.constant 0 : index
    %get3A_79 = vector.load %arg7[%get3A_77, %get3A_78] : memref<2x4096000xf32, #tpu.memory_space<vmem>>, vector<1x1000xf32>
    %get3A_80 = vector.shape_cast %get3A_79 : vector<1x1000xf32> to vector<1000xf32>
    %broadcast_in_dim3A_81 = vector.shape_cast %get3A_80 : vector<1000xf32> to vector<1x1000xf32>
    %jit3A_82 = arith.constant 0.000000e+00 : f32
    %broadcast_in_dim3A_83 = vector.shape_cast %broadcast_in_dim3A_76 : vector<32x1xi1> to vector<32x1xi1>
    %broadcast_in_dim3A_84 = vector.broadcast %broadcast_in_dim3A_83 : vector<32x1xi1> to vector<32x1000xi1>
    %broadcast_in_dim3A_85 = vector.shape_cast %broadcast_in_dim3A_81 : vector<1x1000xf32> to vector<1x1000xf32>
    %broadcast_in_dim3A_86 = vector.broadcast %broadcast_in_dim3A_85 : vector<1x1000xf32> to vector<32x1000xf32>
    %broadcast_in_dim3A_87 = vector.broadcast %jit3A_82 : f32 to vector<32x1000xf32>
    %select_n3A_88 = arith.select %broadcast_in_dim3A_84, %broadcast_in_dim3A_86, %broadcast_in_dim3A_87 : vector<32x1000xi1>, vector<32x1000xf32>
    %get3A_89 = arith.constant 0 : index
    %get3A_90 = arith.constant 0 : index
    %get3A_91 = vector.load %arg6[%get3A_89, %get3A_90] : memref<32x1000xf32, #tpu.memory_space<vmem>>, vector<32x1000xf32>
    %add3A_92 = arith.addf %get3A_91, %select_n3A_88 : vector<32x1000xf32>
    %swap3A_93 = arith.constant 0 : index
    %swap3A_94 = arith.constant 0 : index
    %swap3A_95 = vector.load %arg6[%swap3A_93, %swap3A_94] : memref<32x1000xf32, #tpu.memory_space<vmem>>, vector<32x1000xf32>
    tpu.vector_store %arg6[%swap3A_93, %swap3A_94], %add3A_92 {strides = array<i32>} : memref<32x1000xf32, #tpu.memory_space<vmem>>, vector<32x1000xf32>,
    %dma_start3A_96 = arith.constant 1 : i32
    %dma_start3A_97 = arith.constant 1 : i32
    %dma_start3A_98 = tpu.memref_slice %arg8[%dma_start3A_97] : memref<2x!tpu.dma_semaphore, #tpu.memory_space<semaphore_mem>> -> memref<1x!tpu.dma_semaphore, #tpu.memory_space<semaphore_mem>>
    %dma_start3A_99 = tpu.memref_squeeze %dma_start3A_98 : memref<1x!tpu.dma_semaphore, #tpu.memory_space<semaphore_mem>> -> memref<!tpu.dma_semaphore, #tpu.memory_space<semaphore_mem>>
    %dma_start3A_100 = arith.constant 0 : i32
    %dma_start3A_101 = tpu.memref_slice %arg7[%dma_start3A_96, %dma_start3A_100] : memref<2x4096000xf32, #tpu.memory_space<vmem>> -> memref<1x4096000xf32, #tpu.memory_space<vmem>>
    %dma_start3A_102 = tpu.memref_squeeze %dma_start3A_101 : memref<1x4096000xf32, #tpu.memory_space<vmem>> -> memref<4096000xf32, #tpu.memory_space<vmem>>
    %dma_start3A_103 = arith.constant 12288000 : i32
    %dma_start3A_104 = tpu.memref_slice %arg5[%dma_start3A_103] : memref<32768000xf32, #tpu.memory_space<any>> -> memref<4096000xf32, #tpu.memory_space<any>>
    tpu.enqueue_dma source(%dma_start3A_104 : memref<4096000xf32, #tpu.memory_space<any>>) target(%dma_start3A_102 : memref<4096000xf32, #tpu.memory_space<vmem>>) target_semaphore(%dma_start3A_99 : memref<!tpu.dma_semaphore, #tpu.memory_space<semaphore_mem>>)
    %dma_wait3A_105 = arith.constant 0 : i32
    %dma_wait3A_106 = arith.constant 0 : i32
    %dma_wait3A_107 = tpu.memref_slice %arg8[%dma_wait3A_106] : memref<2x!tpu.dma_semaphore, #tpu.memory_space<semaphore_mem>> -> memref<1x!tpu.dma_semaphore, #tpu.memory_space<semaphore_mem>>
    %dma_wait3A_108 = tpu.memref_squeeze %dma_wait3A_107 : memref<1x!tpu.dma_semaphore, #tpu.memory_space<semaphore_mem>> -> memref<!tpu.dma_semaphore, #tpu.memory_space<semaphore_mem>>
    %dma_wait3A_109 = arith.constant 0 : i32
    %dma_wait3A_110 = tpu.memref_slice %arg7[%dma_wait3A_105, %dma_wait3A_109] : memref<2x4096000xf32, #tpu.memory_space<vmem>> -> memref<1x4096000xf32, #tpu.memory_space<vmem>>
    %dma_wait3A_111 = tpu.memref_squeeze %dma_wait3A_110 : memref<1x4096000xf32, #tpu.memory_space<vmem>> -> memref<4096000xf32, #tpu.memory_space<vmem>>
    %dma_wait3A_112 = arith.constant 8192000 : i32
    %dma_wait3A_113 = tpu.memref_slice %arg5[%dma_wait3A_112] : memref<32768000xf32, #tpu.memory_space<any>> -> memref<4096000xf32, #tpu.memory_space<any>>
    tpu.wait_dma2 semaphore(%dma_wait3A_108 : memref<!tpu.dma_semaphore, #tpu.memory_space<semaphore_mem>>) src(%dma_wait3A_113 : memref<4096000xf32, #tpu.memory_space<any>>) dst(%dma_wait3A_111 : memref<4096000xf32, #tpu.memory_space<vmem>>)
    %eq3A_114 = arith.constant 2 : i32
    %eq3A_115 = vector.broadcast %eq3A_114 : i32 to vector<32xi32>
    %eq3A_116 = arith.cmpi eq, %argmax3A, %eq3A_115 : vector<32xi32>
    %broadcast_in_dim3A_117 = vector.shape_cast %eq3A_116 : vector<32xi1> to vector<32x1xi1>
    %get3A_118 = arith.constant 0 : index
    %get3A_119 = arith.constant 0 : index
    %get3A_120 = vector.load %arg7[%get3A_118, %get3A_119] : memref<2x4096000xf32, #tpu.memory_space<vmem>>, vector<1x1000xf32>
    %get3A_121 = vector.shape_cast %get3A_120 : vector<1x1000xf32> to vector<1000xf32>
    %broadcast_in_dim3A_122 = vector.shape_cast %get3A_121 : vector<1000xf32> to vector<1x1000xf32>
    %jit3A_123 = arith.constant 0.000000e+00 : f32
    %broadcast_in_dim3A_124 = vector.shape_cast %broadcast_in_dim3A_117 : vector<32x1xi1> to vector<32x1xi1>
    %broadcast_in_dim3A_125 = vector.broadcast %broadcast_in_dim3A_124 : vector<32x1xi1> to vector<32x1000xi1>
    %broadcast_in_dim3A_126 = vector.shape_cast %broadcast_in_dim3A_122 : vector<1x1000xf32> to vector<1x1000xf32>
    %broadcast_in_dim3A_127 = vector.broadcast %broadcast_in_dim3A_126 : vector<1x1000xf32> to vector<32x1000xf32>
    %broadcast_in_dim3A_128 = vector.broadcast %jit3A_123 : f32 to vector<32x1000xf32>
    %select_n3A_129 = arith.select %broadcast_in_dim3A_125, %broadcast_in_dim3A_127, %broadcast_in_dim3A_128 : vector<32x1000xi1>, vector<32x1000xf32>
    %get3A_130 = arith.constant 0 : index
    %get3A_131 = arith.constant 0 : index
    %get3A_132 = vector.load %arg6[%get3A_130, %get3A_131] : memref<32x1000xf32, #tpu.memory_space<vmem>>, vector<32x1000xf32>
    %add3A_133 = arith.addf %get3A_132, %select_n3A_129 : vector<32x1000xf32>
    %swap3A_134 = arith.constant 0 : index
    %swap3A_135 = arith.constant 0 : index
    %swap3A_136 = vector.load %arg6[%swap3A_134, %swap3A_135] : memref<32x1000xf32, #tpu.memory_space<vmem>>, vector<32x1000xf32>
    tpu.vector_store %arg6[%swap3A_134, %swap3A_135], %add3A_133 {strides = array<i32>} : memref<32x1000xf32, #tpu.memory_space<vmem>>, vector<32x1000xf32>,
    %dma_start3A_137 = arith.constant 0 : i32
    %dma_start3A_138 = arith.constant 0 : i32
    %dma_start3A_139 = tpu.memref_slice %arg8[%dma_start3A_138] : memref<2x!tpu.dma_semaphore, #tpu.memory_space<semaphore_mem>> -> memref<1x!tpu.dma_semaphore, #tpu.memory_space<semaphore_mem>>
    %dma_start3A_140 = tpu.memref_squeeze %dma_start3A_139 : memref<1x!tpu.dma_semaphore, #tpu.memory_space<semaphore_mem>> -> memref<!tpu.dma_semaphore, #tpu.memory_space<semaphore_mem>>
    %dma_start3A_141 = arith.constant 0 : i32
    %dma_start3A_142 = tpu.memref_slice %arg7[%dma_start3A_137, %dma_start3A_141] : memref<2x4096000xf32, #tpu.memory_space<vmem>> -> memref<1x4096000xf32, #tpu.memory_space<vmem>>
    %dma_start3A_143 = tpu.memref_squeeze %dma_start3A_142 : memref<1x4096000xf32, #tpu.memory_space<vmem>> -> memref<4096000xf32, #tpu.memory_space<vmem>>
    %dma_start3A_144 = arith.constant 16384000 : i32
    %dma_start3A_145 = tpu.memref_slice %arg5[%dma_start3A_144] : memref<32768000xf32, #tpu.memory_space<any>> -> memref<4096000xf32, #tpu.memory_space<any>>
    tpu.enqueue_dma source(%dma_start3A_145 : memref<4096000xf32, #tpu.memory_space<any>>) target(%dma_start3A_143 : memref<4096000xf32, #tpu.memory_space<vmem>>) target_semaphore(%dma_start3A_140 : memref<!tpu.dma_semaphore, #tpu.memory_space<semaphore_mem>>)
    %dma_wait3A_146 = arith.constant 1 : i32
    %dma_wait3A_147 = arith.constant 1 : i32
    %dma_wait3A_148 = tpu.memref_slice %arg8[%dma_wait3A_147] : memref<2x!tpu.dma_semaphore, #tpu.memory_space<semaphore_mem>> -> memref<1x!tpu.dma_semaphore, #tpu.memory_space<semaphore_mem>>
    %dma_wait3A_149 = tpu.memref_squeeze %dma_wait3A_148 : memref<1x!tpu.dma_semaphore, #tpu.memory_space<semaphore_mem>> -> memref<!tpu.dma_semaphore, #tpu.memory_space<semaphore_mem>>
    %dma_wait3A_150 = arith.constant 0 : i32
    %dma_wait3A_151 = tpu.memref_slice %arg7[%dma_wait3A_146, %dma_wait3A_150] : memref<2x4096000xf32, #tpu.memory_space<vmem>> -> memref<1x4096000xf32, #tpu.memory_space<vmem>>
    %dma_wait3A_152 = tpu.memref_squeeze %dma_wait3A_151 : memref<1x4096000xf32, #tpu.memory_space<vmem>> -> memref<4096000xf32, #tpu.memory_space<vmem>>
    %dma_wait3A_153 = arith.constant 12288000 : i32
    %dma_wait3A_154 = tpu.memref_slice %arg5[%dma_wait3A_153] : memref<32768000xf32, #tpu.memory_space<any>> -> memref<4096000xf32, #tpu.memory_space<any>>
    tpu.wait_dma2 semaphore(%dma_wait3A_149 : memref<!tpu.dma_semaphore, #tpu.memory_space<semaphore_mem>>) src(%dma_wait3A_154 : memref<4096000xf32, #tpu.memory_space<any>>) dst(%dma_wait3A_152 : memref<4096000xf32, #tpu.memory_space<vmem>>)
    %eq3A_155 = arith.constant 3 : i32
    %eq3A_156 = vector.broadcast %eq3A_155 : i32 to vector<32xi32>
    %eq3A_157 = arith.cmpi eq, %argmax3A, %eq3A_156 : vector<32xi32>
    %broadcast_in_dim3A_158 = vector.shape_cast %eq3A_157 : vector<32xi1> to vector<32x1xi1>
    %get3A_159 = arith.constant 1 : index
    %get3A_160 = arith.constant 0 : index
    %get3A_161 = vector.load %arg7[%get3A_159, %get3A_160] : memref<2x4096000xf32, #tpu.memory_space<vmem>>, vector<1x1000xf32>
    %get3A_162 = vector.shape_cast %get3A_161 : vector<1x1000xf32> to vector<1000xf32>
    %broadcast_in_dim3A_163 = vector.shape_cast %get3A_162 : vector<1000xf32> to vector<1x1000xf32>
    %jit3A_164 = arith.constant 0.000000e+00 : f32
    %broadcast_in_dim3A_165 = vector.shape_cast %broadcast_in_dim3A_158 : vector<32x1xi1> to vector<32x1xi1>
    %broadcast_in_dim3A_166 = vector.broadcast %broadcast_in_dim3A_165 : vector<32x1xi1> to vector<32x1000xi1>
    %broadcast_in_dim3A_167 = vector.shape_cast %broadcast_in_dim3A_163 : vector<1x1000xf32> to vector<1x1000xf32>
    %broadcast_in_dim3A_168 = vector.broadcast %broadcast_in_dim3A_167 : vector<1x1000xf32> to vector<32x1000xf32>
    %broadcast_in_dim3A_169 = vector.broadcast %jit3A_164 : f32 to vector<32x1000xf32>
    %select_n3A_170 = arith.select %broadcast_in_dim3A_166, %broadcast_in_dim3A_168, %broadcast_in_dim3A_169 : vector<32x1000xi1>, vector<32x1000xf32>
    %get3A_171 = arith.constant 0 : index
    %get3A_172 = arith.constant 0 : index
    %get3A_173 = vector.load %arg6[%get3A_171, %get3A_172] : memref<32x1000xf32, #tpu.memory_space<vmem>>, vector<32x1000xf32>
    %add3A_174 = arith.addf %get3A_173, %select_n3A_170 : vector<32x1000xf32>
    %swap3A_175 = arith.constant 0 : index
    %swap3A_176 = arith.constant 0 : index
    %swap3A_177 = vector.load %arg6[%swap3A_175, %swap3A_176] : memref<32x1000xf32, #tpu.memory_space<vmem>>, vector<32x1000xf32>
    tpu.vector_store %arg6[%swap3A_175, %swap3A_176], %add3A_174 {strides = array<i32>} : memref<32x1000xf32, #tpu.memory_space<vmem>>, vector<32x1000xf32>,
    %dma_start3A_178 = arith.constant 1 : i32
    %dma_start3A_179 = arith.constant 1 : i32
    %dma_start3A_180 = tpu.memref_slice %arg8[%dma_start3A_179] : memref<2x!tpu.dma_semaphore, #tpu.memory_space<semaphore_mem>> -> memref<1x!tpu.dma_semaphore, #tpu.memory_space<semaphore_mem>>
    %dma_start3A_181 = tpu.memref_squeeze %dma_start3A_180 : memref<1x!tpu.dma_semaphore, #tpu.memory_space<semaphore_mem>> -> memref<!tpu.dma_semaphore, #tpu.memory_space<semaphore_mem>>
    %dma_start3A_182 = arith.constant 0 : i32
    %dma_start3A_183 = tpu.memref_slice %arg7[%dma_start3A_178, %dma_start3A_182] : memref<2x4096000xf32, #tpu.memory_space<vmem>> -> memref<1x4096000xf32, #tpu.memory_space<vmem>>
    %dma_start3A_184 = tpu.memref_squeeze %dma_start3A_183 : memref<1x4096000xf32, #tpu.memory_space<vmem>> -> memref<4096000xf32, #tpu.memory_space<vmem>>
    %dma_start3A_185 = arith.constant 20480000 : i32
    %dma_start3A_186 = tpu.memref_slice %arg5[%dma_start3A_185] : memref<32768000xf32, #tpu.memory_space<any>> -> memref<4096000xf32, #tpu.memory_space<any>>
    tpu.enqueue_dma source(%dma_start3A_186 : memref<4096000xf32, #tpu.memory_space<any>>) target(%dma_start3A_184 : memref<4096000xf32, #tpu.memory_space<vmem>>) target_semaphore(%dma_start3A_181 : memref<!tpu.dma_semaphore, #tpu.memory_space<semaphore_mem>>)
    %dma_wait3A_187 = arith.constant 0 : i32
    %dma_wait3A_188 = arith.constant 0 : i32
    %dma_wait3A_189 = tpu.memref_slice %arg8[%dma_wait3A_188] : memref<2x!tpu.dma_semaphore, #tpu.memory_space<semaphore_mem>> -> memref<1x!tpu.dma_semaphore, #tpu.memory_space<semaphore_mem>>
    %dma_wait3A_190 = tpu.memref_squeeze %dma_wait3A_189 : memref<1x!tpu.dma_semaphore, #tpu.memory_space<semaphore_mem>> -> memref<!tpu.dma_semaphore, #tpu.memory_space<semaphore_mem>>
    %dma_wait3A_191 = arith.constant 0 : i32
    %dma_wait3A_192 = tpu.memref_slice %arg7[%dma_wait3A_187, %dma_wait3A_191] : memref<2x4096000xf32, #tpu.memory_space<vmem>> -> memref<1x4096000xf32, #tpu.memory_space<vmem>>
    %dma_wait3A_193 = tpu.memref_squeeze %dma_wait3A_192 : memref<1x4096000xf32, #tpu.memory_space<vmem>> -> memref<4096000xf32, #tpu.memory_space<vmem>>
    %dma_wait3A_194 = arith.constant 16384000 : i32
    %dma_wait3A_195 = tpu.memref_slice %arg5[%dma_wait3A_194] : memref<32768000xf32, #tpu.memory_space<any>> -> memref<4096000xf32, #tpu.memory_space<any>>
    tpu.wait_dma2 semaphore(%dma_wait3A_190 : memref<!tpu.dma_semaphore, #tpu.memory_space<semaphore_mem>>) src(%dma_wait3A_195 : memref<4096000xf32, #tpu.memory_space<any>>) dst(%dma_wait3A_193 : memref<4096000xf32, #tpu.memory_space<vmem>>)
    %eq3A_196 = arith.constant 4 : i32
    %eq3A_197 = vector.broadcast %eq3A_196 : i32 to vector<32xi32>
    %eq3A_198 = arith.cmpi eq, %argmax3A, %eq3A_197 : vector<32xi32>
    %broadcast_in_dim3A_199 = vector.shape_cast %eq3A_198 : vector<32xi1> to vector<32x1xi1>
    %get3A_200 = arith.constant 0 : index
    %get3A_201 = arith.constant 0 : index
    %get3A_202 = vector.load %arg7[%get3A_200, %get3A_201] : memref<2x4096000xf32, #tpu.memory_space<vmem>>, vector<1x1000xf32>
    %get3A_203 = vector.shape_cast %get3A_202 : vector<1x1000xf32> to vector<1000xf32>
    %broadcast_in_dim3A_204 = vector.shape_cast %get3A_203 : vector<1000xf32> to vector<1x1000xf32>
    %jit3A_205 = arith.constant 0.000000e+00 : f32
    %broadcast_in_dim3A_206 = vector.shape_cast %broadcast_in_dim3A_199 : vector<32x1xi1> to vector<32x1xi1>
    %broadcast_in_dim3A_207 = vector.broadcast %broadcast_in_dim3A_206 : vector<32x1xi1> to vector<32x1000xi1>
    %broadcast_in_dim3A_208 = vector.shape_cast %broadcast_in_dim3A_204 : vector<1x1000xf32> to vector<1x1000xf32>
    %broadcast_in_dim3A_209 = vector.broadcast %broadcast_in_dim3A_208 : vector<1x1000xf32> to vector<32x1000xf32>
    %broadcast_in_dim3A_210 = vector.broadcast %jit3A_205 : f32 to vector<32x1000xf32>
    %select_n3A_211 = arith.select %broadcast_in_dim3A_207, %broadcast_in_dim3A_209, %broadcast_in_dim3A_210 : vector<32x1000xi1>, vector<32x1000xf32>
    %get3A_212 = arith.constant 0 : index
    %get3A_213 = arith.constant 0 : index
    %get3A_214 = vector.load %arg6[%get3A_212, %get3A_213] : memref<32x1000xf32, #tpu.memory_space<vmem>>, vector<32x1000xf32>
    %add3A_215 = arith.addf %get3A_214, %select_n3A_211 : vector<32x1000xf32>
    %swap3A_216 = arith.constant 0 : index
    %swap3A_217 = arith.constant 0 : index
    %swap3A_218 = vector.load %arg6[%swap3A_216, %swap3A_217] : memref<32x1000xf32, #tpu.memory_space<vmem>>, vector<32x1000xf32>
    tpu.vector_store %arg6[%swap3A_216, %swap3A_217], %add3A_215 {strides = array<i32>} : memref<32x1000xf32, #tpu.memory_space<vmem>>, vector<32x1000xf32>,
    %dma_start3A_219 = arith.constant 0 : i32
    %dma_start3A_220 = arith.constant 0 : i32
    %dma_start3A_221 = tpu.memref_slice %arg8[%dma_start3A_220] : memref<2x!tpu.dma_semaphore, #tpu.memory_space<semaphore_mem>> -> memref<1x!tpu.dma_semaphore, #tpu.memory_space<semaphore_mem>>
    %dma_start3A_222 = tpu.memref_squeeze %dma_start3A_221 : memref<1x!tpu.dma_semaphore, #tpu.memory_space<semaphore_mem>> -> memref<!tpu.dma_semaphore, #tpu.memory_space<semaphore_mem>>
    %dma_start3A_223 = arith.constant 0 : i32
    %dma_start3A_224 = tpu.memref_slice %arg7[%dma_start3A_219, %dma_start3A_223] : memref<2x4096000xf32, #tpu.memory_space<vmem>> -> memref<1x4096000xf32, #tpu.memory_space<vmem>>
    %dma_start3A_225 = tpu.memref_squeeze %dma_start3A_224 : memref<1x4096000xf32, #tpu.memory_space<vmem>> -> memref<4096000xf32, #tpu.memory_space<vmem>>
    %dma_start3A_226 = arith.constant 24576000 : i32
    %dma_start3A_227 = tpu.memref_slice %arg5[%dma_start3A_226] : memref<32768000xf32, #tpu.memory_space<any>> -> memref<4096000xf32, #tpu.memory_space<any>>
    tpu.enqueue_dma source(%dma_start3A_227 : memref<4096000xf32, #tpu.memory_space<any>>) target(%dma_start3A_225 : memref<4096000xf32, #tpu.memory_space<vmem>>) target_semaphore(%dma_start3A_222 : memref<!tpu.dma_semaphore, #tpu.memory_space<semaphore_mem>>)
    %dma_wait3A_228 = arith.constant 1 : i32
    %dma_wait3A_229 = arith.constant 1 : i32
    %dma_wait3A_230 = tpu.memref_slice %arg8[%dma_wait3A_229] : memref<2x!tpu.dma_semaphore, #tpu.memory_space<semaphore_mem>> -> memref<1x!tpu.dma_semaphore, #tpu.memory_space<semaphore_mem>>
    %dma_wait3A_231 = tpu.memref_squeeze %dma_wait3A_230 : memref<1x!tpu.dma_semaphore, #tpu.memory_space<semaphore_mem>> -> memref<!tpu.dma_semaphore, #tpu.memory_space<semaphore_mem>>
    %dma_wait3A_232 = arith.constant 0 : i32
    %dma_wait3A_233 = tpu.memref_slice %arg7[%dma_wait3A_228, %dma_wait3A_232] : memref<2x4096000xf32, #tpu.memory_space<vmem>> -> memref<1x4096000xf32, #tpu.memory_space<vmem>>
    %dma_wait3A_234 = tpu.memref_squeeze %dma_wait3A_233 : memref<1x4096000xf32, #tpu.memory_space<vmem>> -> memref<4096000xf32, #tpu.memory_space<vmem>>
    %dma_wait3A_235 = arith.constant 20480000 : i32
    %dma_wait3A_236 = tpu.memref_slice %arg5[%dma_wait3A_235] : memref<32768000xf32, #tpu.memory_space<any>> -> memref<4096000xf32, #tpu.memory_space<any>>
    tpu.wait_dma2 semaphore(%dma_wait3A_231 : memref<!tpu.dma_semaphore, #tpu.memory_space<semaphore_mem>>) src(%dma_wait3A_236 : memref<4096000xf32, #tpu.memory_space<any>>) dst(%dma_wait3A_234 : memref<4096000xf32, #tpu.memory_space<vmem>>)
    %eq3A_237 = arith.constant 5 : i32
    %eq3A_238 = vector.broadcast %eq3A_237 : i32 to vector<32xi32>
    %eq3A_239 = arith.cmpi eq, %argmax3A, %eq3A_238 : vector<32xi32>
    %broadcast_in_dim3A_240 = vector.shape_cast %eq3A_239 : vector<32xi1> to vector<32x1xi1>
    %get3A_241 = arith.constant 1 : index
    %get3A_242 = arith.constant 0 : index
    %get3A_243 = vector.load %arg7[%get3A_241, %get3A_242] : memref<2x4096000xf32, #tpu.memory_space<vmem>>, vector<1x1000xf32>
    %get3A_244 = vector.shape_cast %get3A_243 : vector<1x1000xf32> to vector<1000xf32>
    %broadcast_in_dim3A_245 = vector.shape_cast %get3A_244 : vector<1000xf32> to vector<1x1000xf32>
    %jit3A_246 = arith.constant 0.000000e+00 : f32
    %broadcast_in_dim3A_247 = vector.shape_cast %broadcast_in_dim3A_240 : vector<32x1xi1> to vector<32x1xi1>
    %broadcast_in_dim3A_248 = vector.broadcast %broadcast_in_dim3A_247 : vector<32x1xi1> to vector<32x1000xi1>
    %broadcast_in_dim3A_249 = vector.shape_cast %broadcast_in_dim3A_245 : vector<1x1000xf32> to vector<1x1000xf32>
    %broadcast_in_dim3A_250 = vector.broadcast %broadcast_in_dim3A_249 : vector<1x1000xf32> to vector<32x1000xf32>
    %broadcast_in_dim3A_251 = vector.broadcast %jit3A_246 : f32 to vector<32x1000xf32>
    %select_n3A_252 = arith.select %broadcast_in_dim3A_248, %broadcast_in_dim3A_250, %broadcast_in_dim3A_251 : vector<32x1000xi1>, vector<32x1000xf32>
    %get3A_253 = arith.constant 0 : index
    %get3A_254 = arith.constant 0 : index
    %get3A_255 = vector.load %arg6[%get3A_253, %get3A_254] : memref<32x1000xf32, #tpu.memory_space<vmem>>, vector<32x1000xf32>
    %add3A_256 = arith.addf %get3A_255, %select_n3A_252 : vector<32x1000xf32>
    %swap3A_257 = arith.constant 0 : index
    %swap3A_258 = arith.constant 0 : index
    %swap3A_259 = vector.load %arg6[%swap3A_257, %swap3A_258] : memref<32x1000xf32, #tpu.memory_space<vmem>>, vector<32x1000xf32>
    tpu.vector_store %arg6[%swap3A_257, %swap3A_258], %add3A_256 {strides = array<i32>} : memref<32x1000xf32, #tpu.memory_space<vmem>>, vector<32x1000xf32>,
    %dma_start3A_260 = arith.constant 1 : i32
    %dma_start3A_261 = arith.constant 1 : i32
    %dma_start3A_262 = tpu.memref_slice %arg8[%dma_start3A_261] : memref<2x!tpu.dma_semaphore, #tpu.memory_space<semaphore_mem>> -> memref<1x!tpu.dma_semaphore, #tpu.memory_space<semaphore_mem>>
    %dma_start3A_263 = tpu.memref_squeeze %dma_start3A_262 : memref<1x!tpu.dma_semaphore, #tpu.memory_space<semaphore_mem>> -> memref<!tpu.dma_semaphore, #tpu.memory_space<semaphore_mem>>
    %dma_start3A_264 = arith.constant 0 : i32
    %dma_start3A_265 = tpu.memref_slice %arg7[%dma_start3A_260, %dma_start3A_264] : memref<2x4096000xf32, #tpu.memory_space<vmem>> -> memref<1x4096000xf32, #tpu.memory_space<vmem>>
    %dma_start3A_266 = tpu.memref_squeeze %dma_start3A_265 : memref<1x4096000xf32, #tpu.memory_space<vmem>> -> memref<4096000xf32, #tpu.memory_space<vmem>>
    %dma_start3A_267 = arith.constant 28672000 : i32
    %dma_start3A_268 = tpu.memref_slice %arg5[%dma_start3A_267] : memref<32768000xf32, #tpu.memory_space<any>> -> memref<4096000xf32, #tpu.memory_space<any>>
    tpu.enqueue_dma source(%dma_start3A_268 : memref<4096000xf32, #tpu.memory_space<any>>) target(%dma_start3A_266 : memref<4096000xf32, #tpu.memory_space<vmem>>) target_semaphore(%dma_start3A_263 : memref<!tpu.dma_semaphore, #tpu.memory_space<semaphore_mem>>)
    %dma_wait3A_269 = arith.constant 0 : i32
    %dma_wait3A_270 = arith.constant 0 : i32
    %dma_wait3A_271 = tpu.memref_slice %arg8[%dma_wait3A_270] : memref<2x!tpu.dma_semaphore, #tpu.memory_space<semaphore_mem>> -> memref<1x!tpu.dma_semaphore, #tpu.memory_space<semaphore_mem>>
    %dma_wait3A_272 = tpu.memref_squeeze %dma_wait3A_271 : memref<1x!tpu.dma_semaphore, #tpu.memory_space<semaphore_mem>> -> memref<!tpu.dma_semaphore, #tpu.memory_space<semaphore_mem>>
    %dma_wait3A_273 = arith.constant 0 : i32
    %dma_wait3A_274 = tpu.memref_slice %arg7[%dma_wait3A_269, %dma_wait3A_273] : memref<2x4096000xf32, #tpu.memory_space<vmem>> -> memref<1x4096000xf32, #tpu.memory_space<vmem>>
    %dma_wait3A_275 = tpu.memref_squeeze %dma_wait3A_274 : memref<1x4096000xf32, #tpu.memory_space<vmem>> -> memref<4096000xf32, #tpu.memory_space<vmem>>
    %dma_wait3A_276 = arith.constant 24576000 : i32
    %dma_wait3A_277 = tpu.memref_slice %arg5[%dma_wait3A_276] : memref<32768000xf32, #tpu.memory_space<any>> -> memref<4096000xf32, #tpu.memory_space<any>>
    tpu.wait_dma2 semaphore(%dma_wait3A_272 : memref<!tpu.dma_semaphore, #tpu.memory_space<semaphore_mem>>) src(%dma_wait3A_277 : memref<4096000xf32, #tpu.memory_space<any>>) dst(%dma_wait3A_275 : memref<4096000xf32, #tpu.memory_space<vmem>>)
    %eq3A_278 = arith.constant 6 : i32
    %eq3A_279 = vector.broadcast %eq3A_278 : i32 to vector<32xi32>
    %eq3A_280 = arith.cmpi eq, %argmax3A, %eq3A_279 : vector<32xi32>
    %broadcast_in_dim3A_281 = vector.shape_cast %eq3A_280 : vector<32xi1> to vector<32x1xi1>
    %get3A_282 = arith.constant 0 : index
    %get3A_283 = arith.constant 0 : index
    %get3A_284 = vector.load %arg7[%get3A_282, %get3A_283] : memref<2x4096000xf32, #tpu.memory_space<vmem>>, vector<1x1000xf32>
    %get3A_285 = vector.shape_cast %get3A_284 : vector<1x1000xf32> to vector<1000xf32>
    %broadcast_in_dim3A_286 = vector.shape_cast %get3A_285 : vector<1000xf32> to vector<1x1000xf32>
    %jit3A_287 = arith.constant 0.000000e+00 : f32
    %broadcast_in_dim3A_288 = vector.shape_cast %broadcast_in_dim3A_281 : vector<32x1xi1> to vector<32x1xi1>
    %broadcast_in_dim3A_289 = vector.broadcast %broadcast_in_dim3A_288 : vector<32x1xi1> to vector<32x1000xi1>
    %broadcast_in_dim3A_290 = vector.shape_cast %broadcast_in_dim3A_286 : vector<1x1000xf32> to vector<1x1000xf32>
    %broadcast_in_dim3A_291 = vector.broadcast %broadcast_in_dim3A_290 : vector<1x1000xf32> to vector<32x1000xf32>
    %broadcast_in_dim3A_292 = vector.broadcast %jit3A_287 : f32 to vector<32x1000xf32>
    %select_n3A_293 = arith.select %broadcast_in_dim3A_289, %broadcast_in_dim3A_291, %broadcast_in_dim3A_292 : vector<32x1000xi1>, vector<32x1000xf32>
    %get3A_294 = arith.constant 0 : index
    %get3A_295 = arith.constant 0 : index
    %get3A_296 = vector.load %arg6[%get3A_294, %get3A_295] : memref<32x1000xf32, #tpu.memory_space<vmem>>, vector<32x1000xf32>
    %add3A_297 = arith.addf %get3A_296, %select_n3A_293 : vector<32x1000xf32>
    %swap3A_298 = arith.constant 0 : index
    %swap3A_299 = arith.constant 0 : index
    %swap3A_300 = vector.load %arg6[%swap3A_298, %swap3A_299] : memref<32x1000xf32, #tpu.memory_space<vmem>>, vector<32x1000xf32>
    tpu.vector_store %arg6[%swap3A_298, %swap3A_299], %add3A_297 {strides = array<i32>} : memref<32x1000xf32, #tpu.memory_space<vmem>>, vector<32x1000xf32>,
    %dma_wait3A_301 = arith.constant 1 : i32
    %dma_wait3A_302 = arith.constant 1 : i32
    %dma_wait3A_303 = tpu.memref_slice %arg8[%dma_wait3A_302] : memref<2x!tpu.dma_semaphore, #tpu.memory_space<semaphore_mem>> -> memref<1x!tpu.dma_semaphore, #tpu.memory_space<semaphore_mem>>
    %dma_wait3A_304 = tpu.memref_squeeze %dma_wait3A_303 : memref<1x!tpu.dma_semaphore, #tpu.memory_space<semaphore_mem>> -> memref<!tpu.dma_semaphore, #tpu.memory_space<semaphore_mem>>
    %dma_wait3A_305 = arith.constant 0 : i32
    %dma_wait3A_306 = tpu.memref_slice %arg7[%dma_wait3A_301, %dma_wait3A_305] : memref<2x4096000xf32, #tpu.memory_space<vmem>> -> memref<1x4096000xf32, #tpu.memory_space<vmem>>
    %dma_wait3A_307 = tpu.memref_squeeze %dma_wait3A_306 : memref<1x4096000xf32, #tpu.memory_space<vmem>> -> memref<4096000xf32, #tpu.memory_space<vmem>>
    %dma_wait3A_308 = arith.constant 28672000 : i32
    %dma_wait3A_309 = tpu.memref_slice %arg5[%dma_wait3A_308] : memref<32768000xf32, #tpu.memory_space<any>> -> memref<4096000xf32, #tpu.memory_space<any>>
    tpu.wait_dma2 semaphore(%dma_wait3A_304 : memref<!tpu.dma_semaphore, #tpu.memory_space<semaphore_mem>>) src(%dma_wait3A_309 : memref<4096000xf32, #tpu.memory_space<any>>) dst(%dma_wait3A_307 : memref<4096000xf32, #tpu.memory_space<vmem>>)
    %eq3A_310 = arith.constant 7 : i32
    %eq3A_311 = vector.broadcast %eq3A_310 : i32 to vector<32xi32>
    %eq3A_312 = arith.cmpi eq, %argmax3A, %eq3A_311 : vector<32xi32>
    %broadcast_in_dim3A_313 = vector.shape_cast %eq3A_312 : vector<32xi1> to vector<32x1xi1>
    %get3A_314 = arith.constant 1 : index
    %get3A_315 = arith.constant 0 : index
    %get3A_316 = vector.load %arg7[%get3A_314, %get3A_315] : memref<2x4096000xf32, #tpu.memory_space<vmem>>, vector<1x1000xf32>
    %get3A_317 = vector.shape_cast %get3A_316 : vector<1x1000xf32> to vector<1000xf32>
    %broadcast_in_dim3A_318 = vector.shape_cast %get3A_317 : vector<1000xf32> to vector<1x1000xf32>
    %jit3A_319 = arith.constant 0.000000e+00 : f32
    %broadcast_in_dim3A_320 = vector.shape_cast %broadcast_in_dim3A_313 : vector<32x1xi1> to vector<32x1xi1>
    %broadcast_in_dim3A_321 = vector.broadcast %broadcast_in_dim3A_320 : vector<32x1xi1> to vector<32x1000xi1>
    %broadcast_in_dim3A_322 = vector.shape_cast %broadcast_in_dim3A_318 : vector<1x1000xf32> to vector<1x1000xf32>
    %broadcast_in_dim3A_323 = vector.broadcast %broadcast_in_dim3A_322 : vector<1x1000xf32> to vector<32x1000xf32>
    %broadcast_in_dim3A_324 = vector.broadcast %jit3A_319 : f32 to vector<32x1000xf32>
    %select_n3A_325 = arith.select %broadcast_in_dim3A_321, %broadcast_in_dim3A_323, %broadcast_in_dim3A_324 : vector<32x1000xi1>, vector<32x1000xf32>
    %get3A_326 = arith.constant 0 : index
    %get3A_327 = arith.constant 0 : index
    %get3A_328 = vector.load %arg6[%get3A_326, %get3A_327] : memref<32x1000xf32, #tpu.memory_space<vmem>>, vector<32x1000xf32>
    %add3A_329 = arith.addf %get3A_328, %select_n3A_325 : vector<32x1000xf32>
    %swap3A_330 = arith.constant 0 : index
    %swap3A_331 = arith.constant 0 : index
    %swap3A_332 = vector.load %arg6[%swap3A_330, %swap3A_331] : memref<32x1000xf32, #tpu.memory_space<vmem>>, vector<32x1000xf32>
    tpu.vector_store %arg6[%swap3A_330, %swap3A_331], %add3A_329 {strides = array<i32>} : memref<32x1000xf32, #tpu.memory_space<vmem>>, vector<32x1000xf32>,
    return
  }
}

</mosaic_0001>

<sc_bundles>
// kernel: sparse-core-data-format-call.cloned.1.call-start
scs
called_computation_lowered:
.L_overlay_start_0:
0x0: {  	s2 =	sld [smem:$0x3FD9]  }
0x1: {  	s3 =	sld [smem:$0x3FFE];
	_ =	sdelay $0x1  }
0x2: {  	s1 =	srdreg.scid  }
0x3: {  	s0 =	sand.u32 $0x1, s1  }
0x4: {  	s18 =	sshll.u32 s0, $0xA;
	s2 =	sadd.s32 s3, s2  }
0x5: {  	s2 =	sadd.s32 s2, s18  }
0x6: {  	[smem:$0x3FC2] =	sst s2  }
0x7: {  	_ = 	snop  }
0x8: {  	s2 =	sld [smem:$0x3FC7];
	(tm) =	ssettm $0x1  }
0x9: {  	s19 =	sld [smem:$0x3FFB];
	_ =	sdelay $0x3  }
0xa: {  	_ =	strace s19  }
0xb: {  	s3 =	sld [smem:$0x3FFC];
	_ =	sdelay $0x3  }
0xc: {  	_ =	strace s3  }
0xd: {  	s3 =	sld [smem:$0x3FFD];
	_ =	sdelay $0x3  }
0xe: {  	_ =	strace s3  }
0xf: {  	_ =	strace $0x8FFFFFFF  }
0x10: {  	s20 =	sld [smem:$0x3FDB];
	_ =	sdelay $0x1  }
0x11: {  	s4 =	simm.s32 $_scs_section_size  }
0x12: {  	s5 =	simm.s32 $_size__tile_overlayer_lowered;
	s6 =	simm.s32 $_tile_overlayer_lowered  }
0x13: {  	s23 =	simm.s32 $0x1BFF;
	s22 =	sshll.u32 s6, $0x1;
	s3 =	sadd.s32 s4, s20  }
0x14: {  	s7 =	simm.s32 $0x0;
	s21 =	sshll.u32 s5, $0x1;
	s5 =	sadd.s32 s22, s3  }
0x15: {  	[timem:s7], [sflag:s23] =	dma.local [hbm:s5], s21  }
0x16: {  	_ =	swait.ge [sflag:s23], s21  }
0x17: {  	s4 =	ssub.s32 $0x0, s21;
	[sflag:s23] =	ssyncset.done $0x0  }
0x18: {  	[sflag:s23] =	ssyncadd.s32 s4;
	_ =	sdelay $0x1  }
0x19: {  	s24 =	simm.s32 $0x1B8B  }
0x1a: {  	_ =	swait.ge [sflag:s24], $0x1  }
0x1b: {  	[sflag:s24] =	ssyncset.done $0x0  }
0x1c: {  	s26 =	simm.s32 $0x1B8E;
	s25 =	sld [smem:$0x3FFE];
	[sflag:s24] =	ssyncadd.s32 $0xFFFFFFFF  }
0x1d: {  	s27 =	simm.s32 $execute0_lowered;
	[smem:$0x3FD2] =	sst s26  }
0x1e: {  	s5 =	sshll.u32 s27, $0x1;
	_ =	strace $0x80000046;
	[dreg:$0x1] =	wrdreg $0xFFFFFFFF  }
0x1f: {  	s28 =	simm.s32 $_size_execute0_lowered;
	s3 =	sadd.s32 s3, s5;
	[dreg:$0x0] =	wrdreg $0x0  }
0x20: {  	s5 =	sshll.u32 s28, $0x1;
	[dreg:$0x2] =	wrdreg s3  }
0x21: {  	[dreg:$0x3] =	wrdreg s5  }
0x22: {  	[dreg:$0x4] =	wrdreg $0xC0  }
0x23: {  	_ =	task [dreg:s7], $0x5FFFF  }
0x24: {  	[dreg:$0x1] =	wrdreg $0xFFFFFFFF  }
0x25: {  	[dreg:$0x0] =	wrdreg $0x60  }
0x26: {  	[dreg:$0x2] =	wrdreg s2  }
0x27: {  	[dreg:$0x3] =	wrdreg s25  }
0x28: {  	[dreg:$0x4] =	wrdreg $0x9  }
0x29: {  	_ =	task.clear_ibuf [dreg:s7], $0x5FFFF;
	_ =	strace $0x90000046  }
0x2a: {  	s29 =	simm.s32 $0x9;
	_ =	strace $0x80000048  }
0x2b: {  	_ =	swait.ge [sflag:s29], $0x1  }
0x2c: {  	[sflag:s29] =	ssyncadd.s32 $0xFFFFFFFF  }
0x2d: {  	_ =	strace $0x90000048  }
0x2e: {  	_ =	sfence  }
0x2f: {  	s30 =	sld [smem:$0x0];
	_ =	sdelay $0x2  }
0x30: {  	s31 =	sshll.u32 s1, $0xD;
	s1 =	sshrl.u32 s1, $0x2  }
0x31: {  	s3 =	sand.u32 $0x4000, s31;
	s1 =	sadd.s32 s1, s30  }
0x32: {  	s0 =	sor.u32 s3, s0;
	s1 =	sshll.u32 s1, $0x11  }
0x33: {  	s0 =	sor.u32 s1, s0  }
0x34: {  	s0 =	sadd.s32 $0x8F2B, s0  }
0x35: {  	[sflag:s0] =	ssyncadd.remote.s32 $0x1  }
0x36: {  	_ =	sfence.sel $0xFFFF  }
0x37: {  	[dreg:$0x0] =	wrdreg $0xFFFFFFFF;
	(pc) =	sbr.abs _section_cstart, $3  }
0x38: {  	[dreg:$0x1] =	wrdreg $0xFFFFFFFF  }
0x39: {  	_ =	task.clear_ibuf [dreg:s7], $0x2FFFF;
	_ =	strace $0x9FFFFFFF  }
0x3a: {  	(tm) =	ssettm $0x7FFFFFFF  }
0x3b: {  	_ =	shalt  }
tec
execute0_lowered:
.L_overlay_start_1:
0x0: {  	(tag) =	ssettag $0x1  }
0x1: {  	s2 =	rddreg [dreg:$0x0]  }
0x2: {  	s3 =	rddreg [dreg:$0x1]  }
0x3: {  	s0 =	rddreg [dreg:$0x2];
	_ =	strace $0x80000047;
	s1 =	stileid.u32  }
0x4: {  	s5 =	srdreg.scid;
	s31 =	simm.s32 $0x2;
	s14 =	simm.s32 $0x0  }
0x5: {  	p0 =	por $0x0, $0x0;
	s12 =	simm.s32 $0x0;
	s13 =	simm.s32 $0x0  }
.Ltmp0:
0x6: {  	s9 =	simm.s32 $0x0;
	s8 =	simm.s32 $0x0;
	(pc) =	sbr.rel .LBB1_1-.Ltmp0, $4  }
0x7: {  	s3 =	sadd.s32 $0xC00, s3;
	s6 =	sshll.u32 s1, $0x4;
	s7 =	sshll.u32 s5, $0x8  }
0x8: {  	s4 =	sand.u32 $0x7, s1;
	s5 =	simm.s32 $0x1;
	s6 =	sor.u32 s6, s7  }
0x9: {  	[sflag:s5] =	ssyncpa.u1 $0x0;
	s7 =	simm.s32 $0x2000;
	s6 =	sand.u32 $0x180, s6  }
0xa: {  	s11 =	smov.u32 s4;
	[sflag:s31] =	ssyncpa.u1 $0x0;
	s10 =	smov.u32 s6  }
.LBB1_5:
0xb: {  	s15 =	sadd.s32 $0x80, s9  }
0xc: {  	s12 =	sadd.s32 $0x200, s10;
	s16 =	smov.u32 s10;
	p2 =	sgt.s32 s15, $0xFFF  }
0xd: {  	s16 =	smov.u32 @p2 s12  }
0xe: {  	s18 =	smov.u32 s11;
	s12 =	sadd.s32 $0x8, s11;
	p3 =	sgt.s32 s16, $0x3E7  }
0xf: {  	p1 =	slt.u32 s8, $0x2;
	s18 =	smov.u32 @p3 s12  }
0x10: {  	s8 =	sadd.s32 $0x1, s8;
	s15 =	simm.s32 @p2 $0x0;
	p2 =	sgt.s32 s18, $0x7  }
0x11: {  	s18 =	smov.u32 @p2 s4;
	p2 =	sne.s32 s8, $0x42  }
.Ltmp1:
0x12: {  	s17 =	simm.s32 @!p1 $0x2;
	(pc) =	sbr.rel @!p2 .LBB1_6-.Ltmp1, $4  }
0x13: {  	s14 =	smov.u32 s9;
	_ =	swait.ge @!p1 [sflag:s17], $0x4000  }
0x14: {  	s13 =	smov.u32 s11;
	p0 =	por !p0, !p0;
	[sflag:s17] =	ssyncset.done @!p1 $0x0  }
0x15: {  	s9 =	smov.u32 s15;
	s16 =	smov.u32 @p3 s6;
	s12 =	smov.u32 s10  }
0x16: {  	[sflag:s17] =	ssyncadd.s32 @!p1 $0xFFFFC000;
	s10 =	smov.u32 s16;
	s11 =	smov.u32 s18  }
.LBB1_1:
0x17: {  	p1 =	sgt.u32 s8, $0x3F  }
0x18: {  	p2 =	sgt.s32 @!p1 s11, $0x7  }
0x19: {  	s15 =	smov.u32 s11;
	s16 =	sshra.s32 @!p1 s11, $0x1F;
	p2 =	por !p2, p1  }
0x1a: {  	s16 =	sand.u32 @!p1 s16, s11;
	s15 =	simm.s32 @p2 $0x7  }
0x1b: {  	s15 =	ssub.s32 @!p1 s15, s16  }
0x1c: {  	s16 =	sadd.s32 @!p1 $0xFFFFFFF9, s15  }
0x1d: {  	s18 =	smov.u32 s10;
	p2 =	sgt.s32 @!p1 s16, $0x0  }
0x1e: {  	s17 =	sshll.u32 @!p1 s10, $0xC;
	s15 =	ssub.s32 @!p1 $0x8, s15;
	p2 =	por !p2, p1  }
0x1f: {  	s19 =	sshra.s32 @!p1 s10, $0x1F;
	s15 =	simm.s32 @!p2 $0x0;
	p2 =	sgt.s32 @!p1 s10, $0x368  }
0x20: {  	s21 =	sshra.s32 @!p1 s9, $0x1F;
	s19 =	sand.u32 @!p1 s19, s10;
	p2 =	por !p2, p1  }
0x21: {  	s17 =	sand.u32 @!p1 $0xFFFF8000, s17;
	s21 =	sand.u32 @!p1 s21, s9;
	s18 =	simm.s32 @p2 $0x368  }
0x22: {  	s16 =	sand.u32 @!p1 $0x78, s9;
	p2 =	sgt.s32 @!p1 s9, $0xF80;
	s18 =	ssub.s32 @!p1 s18, s19  }
0x23: {  	p2 =	por !p2, p1;
	s19 =	smov.u32 s9;
	s20 =	sadd.s32 @!p1 $0xFFFFFC98, s18  }
0x24: {  	s19 =	simm.s32 @p2 $0xF80;
	s18 =	ssub.s32 @!p1 $0x3E8, s18;
	p2 =	sgt.s32 @!p1 s20, $0x7F  }
0x25: {  	s20 =	sshll.u32 @!p1 s9, $0x3;
	s19 =	ssub.s32 @!p1 s19, s21;
	p2 =	por !p2, p1  }
0x26: {  	s17 =	sadd.s32 @!p1 s17, s20;
	s21 =	sadd.s32 @!p1 $0xFFFFF080, s19;
	s18 =	simm.s32 @!p2 $0x0  }
0x27: {  	p2 =	sgt.s32 @!p1 s21, $0x7F;
	s21 =	sshll.u32 @!p1 s10, $0x7;
	s17 =	sshrl.u32 @!p1 s17, $0xC  }
0x28: {  	s15 =	smul.u32 @!p1 s15, s18;
	s18 =	ssub.s32 @!p1 $0x1000, s19;
	p2 =	por !p2, p1  }
0x29: {  	s19 =	sand.u32 @!p1 $0x380, s21;
	s21 =	smulhi.u32 @!p1 $0x418938, s17;
	s18 =	simm.s32 @!p2 $0x0  }
0x2a: {  	s16 =	sor.u32 @!p1 s19, s16;
	s15 =	smul.u32 @!p1 s18, s15  }
0x2b: {  	s19 =	sand.u32 @!p1 $0xC00, s20;
	s18 =	sxor.u32 @!p1 $0xFFFFFFFF, s8;
	s20 =	smul.u32 @!p1 $0x3E8, s21  }
0x2c: {  	s16 =	sor.u32 @!p1 s19, s16;
	s19 =	smul.u32 @!p1 $0x7D000, s11;
	s18 =	sshll.u32 @!p1 s18, $0xE  }
0x2d: {  	s16 =	sshrl.u32 @!p1 s16, $0x3;
	s18 =	sand.u32 @!p1 $0x4000, s18;
	s17 =	ssub.s32 @!p1 s17, s20  }
0x2e: {  	s15 =	sand.u32 @!p1 $0x3FFFFFFF, s15;
	s19 =	sadd.s32 @!p1 s2, s19;
	s20 =	sand.u32 @!p1 $0x7, s9  }
0x2f: {  	s17 =	sshll.u32 @!p1 s17, $0x9;
	s16 =	sadd.s32 @!p1 s16, s19;
	s19 =	sshll.u32 @!p1 s20, $0x12  }
0x30: {  	s16 =	sadd.s32 @!p1 s17, s16;
	s17 =	sor.u32 @!p1 $0x400, s19;
	s19 =	simm.s32 @!p1 $0x8000  }
0x31: {  	[tilespmem:s18], [sflag:$0x1] =	stream.strided.gather @!p1 [hbm4b:s16+s17], s15, s19, s17, $0x38;
	[tilespmem:$0x10100] =	vst v63  }
0x32: {  	p1 =	seq.s32 s8, $0x0  }
0x33: {  	p2 =	seq.s32 @!p1 s8, $0x41  }
0x34: {  	p1 =	por p1, p2  }
.Ltmp2:
0x35: {  	_ = 	snop;
	(pc) =	sbr.rel @p1 .LBB1_5-.Ltmp2, $1  }
0x36: {  	_ =	sdelay $0x3  }
0x37: {  	p1 =	sgt.s32 s13, $0x7;
	s15 =	smov.u32 s13;
	s16 =	sshra.s32 s13, $0x1F  }
0x38: {  	s15 =	simm.s32 @!p1 $0x7;
	s16 =	sand.u32 s16, s13  }
0x39: {  	s15 =	ssub.s32 s15, s16  }
0x3a: {  	p2 =	sgt.s32 s12, $0x368;
	s17 =	sshra.s32 s12, $0x1F;
	s16 =	sadd.s32 $0xFFFFFFF9, s15  }
0x3b: {  	s18 =	sshra.s32 s14, $0x1F;
	p1 =	sgt.s32 s16, $0x0;
	s16 =	smov.u32 s12  }
0x3c: {  	s17 =	sand.u32 s17, s12;
	s18 =	sand.u32 s18, s14;
	s16 =	simm.s32 @!p2 $0x368  }
0x3d: {  	p2 =	sgt.s32 s14, $0xF80;
	s16 =	ssub.s32 s16, s17;
	s17 =	smov.u32 s14  }
0x3e: {  	s15 =	ssub.s32 $0x8, s15;
	s19 =	sadd.s32 $0xFFFFFC98, s16;
	s17 =	simm.s32 @!p2 $0xF80  }
0x3f: {  	s16 =	ssub.s32 $0x3E8, s16;
	p2 =	sgt.s32 s19, $0x7F;
	s17 =	ssub.s32 s17, s18  }
0x40: {  	s15 =	simm.s32 @p1 $0x0;
	s16 =	simm.s32 @p2 $0x0;
	s18 =	sadd.s32 $0xFFFFF080, s17  }
0x41: {  	s15 =	smul.u32 s15, s16;
	p1 =	sgt.s32 s18, $0x7F;
	s16 =	ssub.s32 $0x1000, s17  }
0x42: {  	s16 =	simm.s32 @p1 $0x0  }
0x43: {  	s15 =	smul.u32 s16, s15;
	_ =	sdelay $0x1  }
0x44: {  	s16 =	simm.s32 $0x1;
	s15 =	sand.u32 $0x3FFFFFFF, s15  }
0x45: {  	s16 =	simm.s32 @!p0 $0x0;
	_ =	swait.ge [sflag:s5], s15  }
0x46: {  	s28 =	sshll.u32 s16, $0xE;
	s15 =	ssub.s32 $0x0, s15;
	[sflag:s5] =	ssyncset.done $0x0  }
0x47: {  	s29 =	sor.u32 $0x40, s28;
	[sflag:s5] =	ssyncadd.s32 s15  }
0x48: {  	s30 =	smul.u32 $0x10200, s16;
	v0 =	vld [tilespmem:s29+$0x30]  }
0x49: {  	v3 =	vld [tilespmem:s29+$0xFFFFFFD0]  }
0x4a: {  	s15 =	sshrl.u32 s30, $0x2;
	v4 =	vld [tilespmem:s29+$0xFFFFFFE0]  }
0x4b: {  	s16 =	sor.u32 $0x8000, s15;
	v5 =	vld [tilespmem:s29+$0xFFFFFFF0]  }
0x4c: {  	s31 =	sand.u32 $0x1, s8;
	v1 =	vld [tilespmem:s29+$0x0];
	s17 =	sadd.s32 $0x0, s16  }
0x4d: {  	s15 =	smul.u32 $0x10200, s31;
	v2 =	vld [tilespmem:s29+$0x10];
	[tilespmem:s17+$0x3870 ss:$0x81] =	vst.msk $0xffff, v0  }
0x4e: {  	[tilespmem:s17+$0x810 ss:$0x81] =	vst.msk $0xffff, v3;
	v3 =	vld [tilespmem:s29+$0x20]  }
0x4f: {  	s18 =	sadd.s32 $0x80, s29;
	s15 =	sshrl.u32 s15, $0x2;
	v0 =	vld [tilespmem:s29+$0xFFFFFFC0];
	[tilespmem:s17+$0x1020 ss:$0x81] =	vst.msk $0xffff, v4  }
0x50: {  	s20 =	simm.s32 $0x8;
	s19 =	simm.s32 $0x4;
	s15 =	sor.u32 $0x8000, s15;
	v4 =	vld [tilespmem:s18+$0x30];
	[tilespmem:s17+$0x1830 ss:$0x81] =	vst.msk $0xffff, v5  }
.LBB1_3:
0x51: {  	p1 =	sne.s32 s20, $0x1FC;
	v5 =	vld [tilespmem:s18+$0xFFFFFFD0];
	[tilespmem:s17+$0x2040 ss:$0x81] =	vst.msk $0xffff, v1  }
0x52: {  	v6 =	vld [tilespmem:s18+$0xFFFFFFE0];
	[tilespmem:s17+$0x2850 ss:$0x81] =	vst.msk $0xffff, v2  }
0x53: {  	s21 =	sshra.s32 s19, $0x2;
	s19 =	smov.u32 s20;
	v7 =	vld [tilespmem:s18+$0xFFFFFFF0];
	[tilespmem:s17+$0x3060 ss:$0x81] =	vst.msk $0xffff, v3  }
.Ltmp3:
0x54: {  	v1 =	vld [tilespmem:s18+$0x0];
	[tilespmem:s17+$0x0 ss:$0x81] =	vst.msk $0xffff, v0;
	s17 =	sadd.s32 s21, s16;
	(pc) =	sbr.rel @p1 .LBB1_3-.Ltmp3, $4  }
0x55: {  	v2 =	vld [tilespmem:s18+$0x10];
	[tilespmem:s17+$0x3870 ss:$0x81] =	vst.msk $0xffff, v4  }
0x56: {  	[tilespmem:s17+$0x810 ss:$0x81] =	vst.msk $0xffff, v5;
	v3 =	vld [tilespmem:s18+$0x20]  }
0x57: {  	v0 =	vld [tilespmem:s18+$0xFFFFFFC0];
	[tilespmem:s17+$0x1020 ss:$0x81] =	vst.msk $0xffff, v6;
	s18 =	sadd.s32 $0x80, s18  }
0x58: {  	s20 =	sadd.s32 $0x4, s20;
	v4 =	vld [tilespmem:s18+$0x30];
	[tilespmem:s17+$0x1830 ss:$0x81] =	vst.msk $0xffff, v7  }
0x59: {  	v5 =	vld [tilespmem:s18+$0xFFFFFFD0];
	[tilespmem:s17+$0x2040 ss:$0x81] =	vst.msk $0xffff, v1  }
0x5a: {  	v58 =	vld [tilespmem:s18+$0xFFFFFFE0];
	[tilespmem:s17+$0x2850 ss:$0x81] =	vst.msk $0xffff, v2  }
0x5b: {  	s19 =	sshra.s32 s19, $0x2;
	v59 =	vld [tilespmem:s18+$0xFFFFFFF0];
	[tilespmem:s17+$0x3060 ss:$0x81] =	vst.msk $0xffff, v3  }
0x5c: {  	v60 =	vld [tilespmem:s18+$0x0];
	s16 =	sadd.s32 s19, s16;
	[tilespmem:s17+$0x0 ss:$0x81] =	vst.msk $0xffff, v0  }
0x5d: {  	v61 =	vld [tilespmem:s18+$0x10];
	[tilespmem:s16+$0x3870 ss:$0x81] =	vst.msk $0xffff, v4  }
0x5e: {  	v62 =	vld [tilespmem:s18+$0x20];
	s26 =	sshll.u32 s14, $0xA;
	s27 =	sshll.u32 s12, $0x3;
	s29 =	sshll.u32 s14, $0x7;
	[tilespmem:s16+$0x810 ss:$0x81] =	vst.msk $0xffff, v5  }
0x5f: {  	v63 =	vld [tilespmem:s18+$0xFFFFFFC0];
	s30 =	sand.u32 $0x78, s12;
	s13 =	sshll.u32 s13, $0x13;
	s31 =	sand.u32 $0x7, s12;
	[tilespmem:s16+$0x1020 ss:$0x81] =	vst.msk $0xffff, v58  }
0x60: {  	s28 =	sand.u32 $0x3FFC00, s27;
	s14 =	sand.u32 $0x380, s29;
	s17 =	sand.u32 $0x3FE000, s26;
	[tilespmem:s16+$0x1830 ss:$0x81] =	vst.msk $0xffff, v59  }
.Ltmp4:
0x61: {  	s14 =	sor.u32 s30, s14;
	s17 =	sadd.s32 s28, s17;
	[tilespmem:s16+$0x2040 ss:$0x81] =	vst.msk $0xffff, v60;
	(pc) =	sbr.rel .LBB1_5-.Ltmp4, $4  }
0x62: {  	s13 =	sadd.s32 s3, s13;
	s14 =	sshrl.u32 s14, $0x3;
	s17 =	sshrl.u32 s17, $0x3;
	[tilespmem:s16+$0x2850 ss:$0x81] =	vst.msk $0xffff, v61  }
0x63: {  	s12 =	sshll.u32 s31, $0x12;
	s13 =	sadd.s32 s14, s13;
	[tilespmem:s16+$0x3060 ss:$0x81] =	vst.msk $0xffff, v62;
	s17 =	sand.u32 $0x7FF80, s17  }
0x64: {  	s12 =	sor.u32 $0x400, s12;
	[tilespmem:s16+$0x0 ss:$0x81] =	vst.msk $0xffff, v63;
	s13 =	sadd.s32 s17, s13  }
0x65: {  	[hbm4b:s13+s12] =	stream.strided.scatter [tilespmem:s15], [sflag:$0x2], $0x4000, s7, s12, $0x20;
	[tilespmem:$0x10100] =	vst v63  }
.LBB1_6:
0x66: {  	_ =	sfence.sel $0x180000  }
0x67: {  	s2 =	simm.s32 $0x1;
	[bflag:$0x0] =	sbarrier.arrive $0xFFFF  }
0x68: {  	s31 =	simm.s32 $0x2;
	[sflag:s2] =	ssyncpa.u1 $0x1  }
0x69: {  	[sflag:s31] =	ssyncpa.u1 $0x1  }
0x6a: {  	p0 =	sne.s32 s1, $0x0;
	_ =	strace $0x90000047  }
0x6b: {  	s0 =	sadd.s32 @!p0 $0x100000, s0;
	[bflag:$0x2] =	sbarrier.arrive $0xFFFF  }
0x6c: {  	[sflag:s0] =	ssyncadd.tile.s32 @!p0 $0x1;
	_ =	shalt  }
.Lfunc_end1:
_tile_overlayer_lowered:
.L_overlay_start_2:
0x6d: {  	(tag) =	ssettag $0x2  }
0x6e: {  	s0 =	rddreg [dreg:$0x0];
	s2 =	stileid.u32  }
0x6f: {  	s1 =	rddreg [dreg:$0x1];
	p0 =	sne.s32 s2, $0x0  }
0x70: {  	s3 =	rddreg [dreg:$0x2];
	[bflag:$0x3] =	sbarrier.arrive $0xFFFF;
	s2 =	simm.s32 @!p0 $0x1C01  }
0x71: {  	[timem:s3], [sflag:s2] =	dma.local @!p0 [hbm:s0], s1  }
0x72: {  	s0 =	simm.s32 @!p0 $0x1  }
0x73: {  	_ =	swait.ge @!p0 [sflag:s0], s1  }
0x74: {  	s1 =	ssub.s32 @!p0 $0x0, s1;
	[sflag:s0] =	ssyncset.done @!p0 $0x0  }
0x75: {  	[sflag:s0] =	ssyncadd.s32 @!p0 s1  }
0x76: {  	[bflag:$0x3] =	sbarrier.arrive $0xFFFF  }
0x77: {  	_ =	shalt  }

</sc_bundles>
